<compile_context>
chip_gen: v7x
topology: tpu7x:2x2x1
jax: 0.10.2.dev20260603
libtpu: 0.0.44.dev20260713+nightly
codegen_flags: <defaults>
</compile_context>

<pallas_src>
import functools

import jax
import jax.numpy as jnp
from jax import lax
from jax.experimental import pallas as pl
from jax.experimental.pallas import tpu as pltpu
from jax.experimental.pallas import tpu_sc as plsc

_KB = 2048

_NC, _NS = 2, 16
_NW = _NC * _NS


def _vq_argmax_kernel(x_ref, xx_ref, embed2_bf_ref, ee_ref, idx_ref):
    xb = x_ref[0]
    xx = xx_ref[0]
    D, N = xb.shape
    K = embed2_bf_ref.shape[0]
    xb_bf = xb.astype(jnp.bfloat16)
    kio_f = jax.lax.broadcasted_iota(jnp.int32, (_KB, N), 0).astype(jnp.float32)

    run_min_bf = jnp.full((1, N), jnp.inf, jnp.bfloat16)
    run_idx = jnp.zeros((1, N), jnp.int32)
    for c in range(K // _KB):
        e_blk = embed2_bf_ref[pl.ds(c * _KB, _KB), :]
        ee = ee_ref[pl.ds(c * _KB, _KB), :]
        m2 = jnp.dot(e_blk, xb_bf,
                     preferred_element_type=jnp.float32)
        nd = (xx - m2) + ee
        h = _KB // 4
        cmin = jnp.minimum(
            jnp.minimum(jnp.min(nd[:h], axis=0, keepdims=True),
                        jnp.min(nd[h:2 * h], axis=0, keepdims=True)),
            jnp.minimum(jnp.min(nd[2 * h:3 * h], axis=0, keepdims=True),
                        jnp.min(nd[3 * h:], axis=0, keepdims=True)))
        masked = jnp.where(nd == cmin, kio_f, float(_KB))
        lidx_f = jnp.minimum(
            jnp.minimum(jnp.min(masked[:h], axis=0, keepdims=True),
                        jnp.min(masked[h:2 * h], axis=0, keepdims=True)),
            jnp.minimum(jnp.min(masked[2 * h:3 * h], axis=0, keepdims=True),
                        jnp.min(masked[3 * h:], axis=0, keepdims=True)))
        lidx = lidx_f.astype(jnp.int32)
        better = cmin < run_min_bf.astype(jnp.float32)
        run_min_bf = jnp.where(better, cmin,
                               run_min_bf.astype(jnp.float32)).astype(jnp.bfloat16)
        run_idx = jnp.where(better, lidx + c * _KB, run_idx)

    idx_ref[0] = run_idx


def _sc_gather(table, idx):
    V, D = table.shape
    (B_tok,) = idx.shape
    b_per_w = B_tok // _NW

    @functools.partial(
        pl.kernel,
        mesh=plsc.VectorSubcoreMesh(core_axis_name="c", subcore_axis_name="s"),
        out_type=jax.ShapeDtypeStruct((B_tok, D), jnp.float32),
        scratch_types=[
            pltpu.VMEM((b_per_w,), jnp.int32),
            pltpu.VMEM((b_per_w, D), jnp.float32),
            pltpu.SemaphoreType.DMA,
        ],
    )
    def gather_kernel(table_hbm, idx_hbm, out_hbm, idx_v, rows_v, sem):
        wid = lax.axis_index("s") * _NC + lax.axis_index("c")
        base = wid * b_per_w
        pltpu.sync_copy(idx_hbm.at[pl.ds(base, b_per_w)], idx_v)
        pltpu.async_copy(table_hbm.at[idx_v], rows_v, sem).wait()
        pltpu.sync_copy(rows_v, out_hbm.at[pl.ds(base, b_per_w)])

    return gather_kernel(table, idx)


def kernel(x, embed):
    B, D, N = x.shape
    K = embed.shape[0]
    xt = jnp.transpose(x, (0, 2, 1)).reshape(-1, D)
    embed_t = embed.T
    xx = jnp.sum(xt * xt, axis=1, keepdims=True).reshape(B, 1, N)
    ee = jnp.sum(embed_t * embed_t, axis=0, keepdims=True).reshape(K, 1)
    embed2_bf = (2.0 * embed.astype(jnp.bfloat16).astype(jnp.float32)
                 ).astype(jnp.bfloat16)

    idx = pl.pallas_call(
        _vq_argmax_kernel,
        grid=(B,),
        in_specs=[
            pl.BlockSpec((1, D, N), lambda b: (b, 0, 0)),
            pl.BlockSpec((1, 1, N), lambda b: (b, 0, 0)),
            pl.BlockSpec((K, D), lambda b: (0, 0)),
            pl.BlockSpec((K, 1), lambda b: (0, 0)),
        ],
        out_specs=pl.BlockSpec((1, 1, N), lambda b: (b, 0, 0)),
        out_shape=jax.ShapeDtypeStruct((B, 1, N), jnp.int32),
    )(x, xx, embed2_bf, ee)

    idx_flat = idx.reshape(-1)
    table128 = jnp.pad(embed, ((0, 0), (0, 128 - D)))
    rows128 = _sc_gather(table128, idx_flat)
    quantize = jnp.transpose(rows128.reshape(B, N, 128)[:, :, :D], (0, 2, 1))
    return quantize, idx.reshape(B, N)

# --- scband reference (transcript-rebuilt; emitter-appended) ---
"""Pipeline reference for scband-vector-quantization-7000796692958 (READ-ONLY COPY).

The authoritative reference and input builder live on the scoring server;
editing this copy changes nothing except your own understanding.
"""

import jax, jax.numpy as jnp
import numpy as np


def setup_inputs(seed: int = 0) -> dict:
    key = jax.random.key(seed)
    k1, k2 = jax.random.split(key)
    x = jax.random.normal(k1, (8, 32, 1024), dtype=jnp.float32)
    embed = jax.random.normal(k2, (8192, 32), dtype=jnp.float32)
    return {"x": x, "embed": embed}


def reference(x, embed):
    # x: [B, D, N]  (torch 'b d n')
    B, D, N = x.shape
    # rearrange 'b d n -> b n d' then flatten '(...) d'
    xt = jnp.transpose(x, (0, 2, 1)).reshape(-1, D)  # [B*N, D]
    # dist = -(||x||^2 - 2 x @ E^T + ||e||^2)
    embed_t = embed.T  # [D, K]
    dist = -(jnp.sum(xt * xt, axis=1, keepdims=True)
             - 2.0 * (xt @ embed_t)
             + jnp.sum(embed_t * embed_t, axis=0, keepdims=True))  # [B*N, K]
    embed_ind = jnp.argmax(dist, axis=-1)  # [B*N]
    embed_ind = embed_ind.reshape(B, N)
    # dequantize: embedding lookup (gather)
    quantize = jnp.take(embed, embed_ind, axis=0)  # [B, N, D]
    # rearrange 'b n d -> b d n'
    quantize = jnp.transpose(quantize, (0, 2, 1))  # [B, D, N]
    return quantize, embed_ind

if __name__ == "__main__":
    import jax
    _d = setup_inputs()
    print(jax.jit(kernel)(*tuple(_d.values())))

</pallas_src>

<mosaic_0001>
#map = affine_map<(d0, d1) -> (0, 0)>
#map1 = affine_map<(d0, d1) -> (0)>
module attributes {stable_mosaic.version = 14 : i64} {
  func.func @gather_kernel(%arg0: i32, %arg1: i32, %arg2: memref<8192x128xf32, #tpu.memory_space<hbm>>, %arg3: memref<8192xi32, #tpu.memory_space<hbm>>, %arg4: memref<8192x128xf32, #tpu.memory_space<hbm>>, %arg5: memref<256xi32, #tpu.memory_space<vmem>>, %arg6: memref<256x128xf32, #tpu.memory_space<vmem>>, %arg7: memref<!tpu.dma_semaphore, #tpu.memory_space<semaphore_mem>>) attributes {dimension_semantics = [#tpu.dimension_semantics<core_parallel>, #tpu.dimension_semantics<subcore_parallel>], iteration_bounds = array<i64: 2, 16>, scalar_prefetch = 0 : i64, scratch_operands = 3 : i64, tpu.core_type = #tpu.core_type<sc_vector_subcore>, window_params = [{transform_indices = #map}, {transform_indices = #map1}, {transform_indices = #map}]} {
    %mul3A = arith.constant 2 : i32
    %mul3A_0 = arith.muli %arg1, %mul3A : i32
    %add3A = arith.addi %mul3A_0, %arg0 : i32
    %mul3A_1 = arith.constant 256 : i32
    %mul3A_2 = arith.muli %add3A, %mul3A_1 : i32
    "tpu.region"() ({
      %run_scoped3A = tpu.sem_alloc : memref<!tpu.dma_semaphore, #tpu.memory_space<semaphore_mem>>
      %dma_start3A_7 = tpu.memref_slice %arg3[%mul3A_2] : memref<8192xi32, #tpu.memory_space<hbm>> -> memref<256xi32, #tpu.memory_space<hbm>>
      %dma_start3A_8 = tpu.memref_slice %arg3[%mul3A_2] : memref<8192xi32, #tpu.memory_space<hbm>> -> memref<256xi32, #tpu.memory_space<hbm>>
      tpu.enqueue_dma source(%dma_start3A_8 : memref<256xi32, #tpu.memory_space<hbm>>) target(%arg5 : memref<256xi32, #tpu.memory_space<vmem>>) target_semaphore(%run_scoped3A : memref<!tpu.dma_semaphore, #tpu.memory_space<semaphore_mem>>)
      %dma_wait3A_9 = tpu.memref_slice %arg3[%mul3A_2] : memref<8192xi32, #tpu.memory_space<hbm>> -> memref<256xi32, #tpu.memory_space<hbm>>
      %dma_wait3A_10 = tpu.memref_slice %arg3[%mul3A_2] : memref<8192xi32, #tpu.memory_space<hbm>> -> memref<256xi32, #tpu.memory_space<hbm>>
      tpu.wait_dma2 semaphore(%run_scoped3A : memref<!tpu.dma_semaphore, #tpu.memory_space<semaphore_mem>>) src(%dma_wait3A_10 : memref<256xi32, #tpu.memory_space<hbm>>) dst(%arg5 : memref<256xi32, #tpu.memory_space<vmem>>)
      tpu.yield
    }) : () -> ()
    %dma_start3A = arith.constant 0 : i32
    %dma_start3A_3 = arith.constant 0 : i32
    %dma_start3A_4 = tpu.memref_slice %arg2[%dma_start3A, %dma_start3A_3] : memref<8192x128xf32, #tpu.memory_space<hbm>> -> memref<8192x128xf32, #tpu.memory_space<hbm>>
    tpu.enqueue_indirect_dma source(%dma_start3A_4 : memref<8192x128xf32, #tpu.memory_space<hbm>>) target(%arg6 : memref<256x128xf32, #tpu.memory_space<vmem>>) offsets(%arg5 : memref<256xi32, #tpu.memory_space<vmem>>) semaphore(%arg7 : memref<!tpu.dma_semaphore, #tpu.memory_space<semaphore_mem>>)
    %dma_wait3A = arith.constant 0 : i32
    %dma_wait3A_5 = arith.constant 0 : i32
    %dma_wait3A_6 = tpu.memref_slice %arg2[%dma_wait3A, %dma_wait3A_5] : memref<8192x128xf32, #tpu.memory_space<hbm>> -> memref<8192x128xf32, #tpu.memory_space<hbm>>
    tpu.wait_indirect_dma semaphore(%arg7 : memref<!tpu.dma_semaphore, #tpu.memory_space<semaphore_mem>>) src(%dma_wait3A_6 : memref<8192x128xf32, #tpu.memory_space<hbm>>) dst(%arg6 : memref<256x128xf32, #tpu.memory_space<vmem>>)
    "tpu.region"() ({
      %run_scoped3A = tpu.sem_alloc : memref<!tpu.dma_semaphore, #tpu.memory_space<semaphore_mem>>
      %dma_start3A_7 = arith.constant 0 : i32
      %dma_start3A_8 = tpu.memref_slice %arg4[%mul3A_2, %dma_start3A_7] : memref<8192x128xf32, #tpu.memory_space<hbm>> -> memref<256x128xf32, #tpu.memory_space<hbm>>
      %dma_start3A_9 = arith.constant 0 : i32
      %dma_start3A_10 = tpu.memref_slice %arg4[%mul3A_2, %dma_start3A_9] : memref<8192x128xf32, #tpu.memory_space<hbm>> -> memref<256x128xf32, #tpu.memory_space<hbm>>
      tpu.enqueue_dma source(%arg6 : memref<256x128xf32, #tpu.memory_space<vmem>>) target(%dma_start3A_10 : memref<256x128xf32, #tpu.memory_space<hbm>>) target_semaphore(%run_scoped3A : memref<!tpu.dma_semaphore, #tpu.memory_space<semaphore_mem>>)
      %dma_wait3A_11 = arith.constant 0 : i32
      %dma_wait3A_12 = tpu.memref_slice %arg4[%mul3A_2, %dma_wait3A_11] : memref<8192x128xf32, #tpu.memory_space<hbm>> -> memref<256x128xf32, #tpu.memory_space<hbm>>
      %dma_wait3A_13 = arith.constant 0 : i32
      %dma_wait3A_14 = tpu.memref_slice %arg4[%mul3A_2, %dma_wait3A_13] : memref<8192x128xf32, #tpu.memory_space<hbm>> -> memref<256x128xf32, #tpu.memory_space<hbm>>
      tpu.wait_dma2 semaphore(%run_scoped3A : memref<!tpu.dma_semaphore, #tpu.memory_space<semaphore_mem>>) src(%arg6 : memref<256x128xf32, #tpu.memory_space<vmem>>) dst(%dma_wait3A_14 : memref<256x128xf32, #tpu.memory_space<hbm>>)
      tpu.yield
    }) : () -> ()
    return
  }
}

module attributes {stable_mosaic.version = 14 : i64} {
  func.func @_vq_argmax_kernel(%arg0: i32, %arg1: memref<1x32x1024xf32, #tpu.memory_space<vmem>>, %arg2: memref<1x1x1024xf32, #tpu.memory_space<vmem>>, %arg3: memref<8192x32xbf16, #tpu.memory_space<vmem>>, %arg4: memref<8192x1xf32, #tpu.memory_space<vmem>>, %arg5: memref<1x1x1024xi32, #tpu.memory_space<vmem>>) attributes {dimension_semantics = [#tpu.dimension_semantics<arbitrary>], iteration_bounds = array<i64: 8>, scalar_prefetch = 0 : i64, scratch_operands = 0 : i64, tpu.core_type = #tpu.core_type<tc>, window_params = [{transform_indices = @transform_0, window_bounds = array<i64: 1, 32, 1024>}, {transform_indices = @transform_1, window_bounds = array<i64: 1, 1, 1024>}, {pipeline_mode = #tpu.pipeline_mode<synchronous>, transform_indices = @transform_2, window_bounds = array<i64: 8192, 32>}, {pipeline_mode = #tpu.pipeline_mode<synchronous>, transform_indices = @transform_3, window_bounds = array<i64: 8192, 1>}, {transform_indices = @transform_4, window_bounds = array<i64: 1, 1, 1024>}]} {
    %get3A = arith.constant 0 : index
    %get3A_0 = arith.constant 0 : index
    %get3A_1 = arith.constant 0 : index
    %get3A_2 = vector.load %arg1[%get3A, %get3A_0, %get3A_1] : memref<1x32x1024xf32, #tpu.memory_space<vmem>>, vector<1x32x1024xf32>
    %get3A_3 = vector.shape_cast %get3A_2 : vector<1x32x1024xf32> to vector<32x1024xf32>
    %get3A_4 = arith.constant 0 : index
    %get3A_5 = arith.constant 0 : index
    %get3A_6 = arith.constant 0 : index
    %get3A_7 = vector.load %arg2[%get3A_4, %get3A_5, %get3A_6] : memref<1x1x1024xf32, #tpu.memory_space<vmem>>, vector<1x1x1024xf32>
    %get3A_8 = vector.shape_cast %get3A_7 : vector<1x1x1024xf32> to vector<1x1024xf32>
    %convert_element_type3A = arith.truncf %get3A_3 : vector<32x1024xf32> to vector<32x1024xbf16>
    %iota3A = tpu.iota {dimensions = array<i32: 0>} : vector<2048x1024xi32>
    %convert_element_type3A_9 = arith.sitofp %iota3A : vector<2048x1024xi32> to vector<2048x1024xf32>
    %broadcast_in_dim3A = arith.constant 0x7F80 : bf16
    %broadcast_in_dim3A_10 = vector.broadcast %broadcast_in_dim3A : bf16 to vector<1x1024xbf16>
    %broadcast_in_dim3A_11 = arith.constant 0 : i32
    %broadcast_in_dim3A_12 = vector.broadcast %broadcast_in_dim3A_11 : i32 to vector<1x1024xi32>
    %get3A_13 = arith.constant 0 : index
    %get3A_14 = arith.constant 0 : index
    %get3A_15 = vector.load %arg3[%get3A_13, %get3A_14] : memref<8192x32xbf16, #tpu.memory_space<vmem>>, vector<2048x32xbf16>
    %get3A_16 = arith.constant 0 : index
    %get3A_17 = arith.constant 0 : index
    %get3A_18 = vector.load %arg4[%get3A_16, %get3A_17] : memref<8192x1xf32, #tpu.memory_space<vmem>>, vector<2048x1xf32>
    %dot_general3A = arith.constant dense<0.000000e+00> : vector<2048x1024xf32>
    %dot_general3A_19 = tpu.matmul %get3A_15, %convert_element_type3A, %dot_general3A {dimension_numbers = #tpu.dot_dimension_numbers<[1], [0], [0], [1], [0, 0, 1, 1], [], []>, transpose_lhs_hint = false} : vector<2048x32xbf16>, vector<32x1024xbf16>, vector<2048x1024xf32> -> vector<2048x1024xf32>
    %sub3A = vector.broadcast %get3A_8 : vector<1x1024xf32> to vector<2048x1024xf32>
    %sub3A_20 = arith.subf %sub3A, %dot_general3A_19 : vector<2048x1024xf32>
    %add3A = vector.broadcast %get3A_18 : vector<2048x1xf32> to vector<2048x1024xf32>
    %add3A_21 = arith.addf %sub3A_20, %add3A : vector<2048x1024xf32>
    %slice3A = vector.extract_strided_slice %add3A_21 {offsets = [0, 0], sizes = [512, 1024], strides = [1, 1]} : vector<2048x1024xf32> to vector<512x1024xf32>
    %reduce_min3A = arith.constant dense<0x7F800000> : vector<1024xf32>
    %reduce_min3A_22 = vector.multi_reduction <minimumf>, %slice3A, %reduce_min3A [0] : vector<512x1024xf32> to vector<1024xf32>
    %broadcast_in_dim3A_23 = vector.shape_cast %reduce_min3A_22 : vector<1024xf32> to vector<1x1024xf32>
    %slice3A_24 = vector.extract_strided_slice %add3A_21 {offsets = [512, 0], sizes = [512, 1024], strides = [1, 1]} : vector<2048x1024xf32> to vector<512x1024xf32>
    %reduce_min3A_25 = arith.constant dense<0x7F800000> : vector<1024xf32>
    %reduce_min3A_26 = vector.multi_reduction <minimumf>, %slice3A_24, %reduce_min3A_25 [0] : vector<512x1024xf32> to vector<1024xf32>
    %broadcast_in_dim3A_27 = vector.shape_cast %reduce_min3A_26 : vector<1024xf32> to vector<1x1024xf32>
    %min3A = arith.minimumf %broadcast_in_dim3A_23, %broadcast_in_dim3A_27 : vector<1x1024xf32>
    %slice3A_28 = vector.extract_strided_slice %add3A_21 {offsets = [1024, 0], sizes = [512, 1024], strides = [1, 1]} : vector<2048x1024xf32> to vector<512x1024xf32>
    %reduce_min3A_29 = arith.constant dense<0x7F800000> : vector<1024xf32>
    %reduce_min3A_30 = vector.multi_reduction <minimumf>, %slice3A_28, %reduce_min3A_29 [0] : vector<512x1024xf32> to vector<1024xf32>
    %broadcast_in_dim3A_31 = vector.shape_cast %reduce_min3A_30 : vector<1024xf32> to vector<1x1024xf32>
    %slice3A_32 = vector.extract_strided_slice %add3A_21 {offsets = [1536, 0], sizes = [512, 1024], strides = [1, 1]} : vector<2048x1024xf32> to vector<512x1024xf32>
    %reduce_min3A_33 = arith.constant dense<0x7F800000> : vector<1024xf32>
    %reduce_min3A_34 = vector.multi_reduction <minimumf>, %slice3A_32, %reduce_min3A_33 [0] : vector<512x1024xf32> to vector<1024xf32>
    %broadcast_in_dim3A_35 = vector.shape_cast %reduce_min3A_34 : vector<1024xf32> to vector<1x1024xf32>
    %min3A_36 = arith.minimumf %broadcast_in_dim3A_31, %broadcast_in_dim3A_35 : vector<1x1024xf32>
    %min3A_37 = arith.minimumf %min3A, %min3A_36 : vector<1x1024xf32>
    %eq3A = vector.broadcast %min3A_37 : vector<1x1024xf32> to vector<2048x1024xf32>
    %eq3A_38 = arith.cmpf oeq, %add3A_21, %eq3A : vector<2048x1024xf32>
    %jit3A = arith.constant 2.048000e+03 : f32
    %broadcast_in_dim3A_39 = vector.broadcast %jit3A : f32 to vector<2048x1024xf32>
    %select_n3A = arith.select %eq3A_38, %convert_element_type3A_9, %broadcast_in_dim3A_39 : vector<2048x1024xi1>, vector<2048x1024xf32>
    %slice3A_40 = vector.extract_strided_slice %select_n3A {offsets = [0, 0], sizes = [512, 1024], strides = [1, 1]} : vector<2048x1024xf32> to vector<512x1024xf32>
    %reduce_min3A_41 = arith.constant dense<0x7F800000> : vector<1024xf32>
    %reduce_min3A_42 = vector.multi_reduction <minimumf>, %slice3A_40, %reduce_min3A_41 [0] : vector<512x1024xf32> to vector<1024xf32>
    %broadcast_in_dim3A_43 = vector.shape_cast %reduce_min3A_42 : vector<1024xf32> to vector<1x1024xf32>
    %slice3A_44 = vector.extract_strided_slice %select_n3A {offsets = [512, 0], sizes = [512, 1024], strides = [1, 1]} : vector<2048x1024xf32> to vector<512x1024xf32>
    %reduce_min3A_45 = arith.constant dense<0x7F800000> : vector<1024xf32>
    %reduce_min3A_46 = vector.multi_reduction <minimumf>, %slice3A_44, %reduce_min3A_45 [0] : vector<512x1024xf32> to vector<1024xf32>
    %broadcast_in_dim3A_47 = vector.shape_cast %reduce_min3A_46 : vector<1024xf32> to vector<1x1024xf32>
    %min3A_48 = arith.minimumf %broadcast_in_dim3A_43, %broadcast_in_dim3A_47 : vector<1x1024xf32>
    %slice3A_49 = vector.extract_strided_slice %select_n3A {offsets = [1024, 0], sizes = [512, 1024], strides = [1, 1]} : vector<2048x1024xf32> to vector<512x1024xf32>
    %reduce_min3A_50 = arith.constant dense<0x7F800000> : vector<1024xf32>
    %reduce_min3A_51 = vector.multi_reduction <minimumf>, %slice3A_49, %reduce_min3A_50 [0] : vector<512x1024xf32> to vector<1024xf32>
    %broadcast_in_dim3A_52 = vector.shape_cast %reduce_min3A_51 : vector<1024xf32> to vector<1x1024xf32>
    %slice3A_53 = vector.extract_strided_slice %select_n3A {offsets = [1536, 0], sizes = [512, 1024], strides = [1, 1]} : vector<2048x1024xf32> to vector<512x1024xf32>
    %reduce_min3A_54 = arith.constant dense<0x7F800000> : vector<1024xf32>
    %reduce_min3A_55 = vector.multi_reduction <minimumf>, %slice3A_53, %reduce_min3A_54 [0] : vector<512x1024xf32> to vector<1024xf32>
    %broadcast_in_dim3A_56 = vector.shape_cast %reduce_min3A_55 : vector<1024xf32> to vector<1x1024xf32>
    %min3A_57 = arith.minimumf %broadcast_in_dim3A_52, %broadcast_in_dim3A_56 : vector<1x1024xf32>
    %min3A_58 = arith.minimumf %min3A_48, %min3A_57 : vector<1x1024xf32>
    %convert_element_type3A_59 = arith.fptosi %min3A_58 : vector<1x1024xf32> to vector<1x1024xi32>
    %convert_element_type3A_60 = arith.extf %broadcast_in_dim3A_10 : vector<1x1024xbf16> to vector<1x1024xf32>
    %lt3A = arith.cmpf olt, %min3A_37, %convert_element_type3A_60 : vector<1x1024xf32>
    %convert_element_type3A_61 = arith.extf %broadcast_in_dim3A_10 : vector<1x1024xbf16> to vector<1x1024xf32>
    %select_n3A_62 = arith.select %lt3A, %min3A_37, %convert_element_type3A_61 : vector<1x1024xi1>, vector<1x1024xf32>
    %convert_element_type3A_63 = arith.truncf %select_n3A_62 : vector<1x1024xf32> to vector<1x1024xbf16>
    %add3A_64 = arith.constant 0 : i32
    %add3A_65 = vector.broadcast %add3A_64 : i32 to vector<1x1024xi32>
    %add3A_66 = arith.addi %convert_element_type3A_59, %add3A_65 : vector<1x1024xi32>
    %select_n3A_67 = arith.select %lt3A, %add3A_66, %broadcast_in_dim3A_12 : vector<1x1024xi1>, vector<1x1024xi32>
    %get3A_68 = arith.constant 2048 : index
    %get3A_69 = arith.constant 0 : index
    %get3A_70 = vector.load %arg3[%get3A_68, %get3A_69] : memref<8192x32xbf16, #tpu.memory_space<vmem>>, vector<2048x32xbf16>
    %get3A_71 = arith.constant 2048 : index
    %get3A_72 = arith.constant 0 : index
    %get3A_73 = vector.load %arg4[%get3A_71, %get3A_72] : memref<8192x1xf32, #tpu.memory_space<vmem>>, vector<2048x1xf32>
    %dot_general3A_74 = arith.constant dense<0.000000e+00> : vector<2048x1024xf32>
    %dot_general3A_75 = tpu.matmul %get3A_70, %convert_element_type3A, %dot_general3A_74 {dimension_numbers = #tpu.dot_dimension_numbers<[1], [0], [0], [1], [0, 0, 1, 1], [], []>, transpose_lhs_hint = false} : vector<2048x32xbf16>, vector<32x1024xbf16>, vector<2048x1024xf32> -> vector<2048x1024xf32>
    %sub3A_76 = vector.broadcast %get3A_8 : vector<1x1024xf32> to vector<2048x1024xf32>
    %sub3A_77 = arith.subf %sub3A_76, %dot_general3A_75 : vector<2048x1024xf32>
    %add3A_78 = vector.broadcast %get3A_73 : vector<2048x1xf32> to vector<2048x1024xf32>
    %add3A_79 = arith.addf %sub3A_77, %add3A_78 : vector<2048x1024xf32>
    %slice3A_80 = vector.extract_strided_slice %add3A_79 {offsets = [0, 0], sizes = [512, 1024], strides = [1, 1]} : vector<2048x1024xf32> to vector<512x1024xf32>
    %reduce_min3A_81 = arith.constant dense<0x7F800000> : vector<1024xf32>
    %reduce_min3A_82 = vector.multi_reduction <minimumf>, %slice3A_80, %reduce_min3A_81 [0] : vector<512x1024xf32> to vector<1024xf32>
    %broadcast_in_dim3A_83 = vector.shape_cast %reduce_min3A_82 : vector<1024xf32> to vector<1x1024xf32>
    %slice3A_84 = vector.extract_strided_slice %add3A_79 {offsets = [512, 0], sizes = [512, 1024], strides = [1, 1]} : vector<2048x1024xf32> to vector<512x1024xf32>
    %reduce_min3A_85 = arith.constant dense<0x7F800000> : vector<1024xf32>
    %reduce_min3A_86 = vector.multi_reduction <minimumf>, %slice3A_84, %reduce_min3A_85 [0] : vector<512x1024xf32> to vector<1024xf32>
    %broadcast_in_dim3A_87 = vector.shape_cast %reduce_min3A_86 : vector<1024xf32> to vector<1x1024xf32>
    %min3A_88 = arith.minimumf %broadcast_in_dim3A_83, %broadcast_in_dim3A_87 : vector<1x1024xf32>
    %slice3A_89 = vector.extract_strided_slice %add3A_79 {offsets = [1024, 0], sizes = [512, 1024], strides = [1, 1]} : vector<2048x1024xf32> to vector<512x1024xf32>
    %reduce_min3A_90 = arith.constant dense<0x7F800000> : vector<1024xf32>
    %reduce_min3A_91 = vector.multi_reduction <minimumf>, %slice3A_89, %reduce_min3A_90 [0] : vector<512x1024xf32> to vector<1024xf32>
    %broadcast_in_dim3A_92 = vector.shape_cast %reduce_min3A_91 : vector<1024xf32> to vector<1x1024xf32>
    %slice3A_93 = vector.extract_strided_slice %add3A_79 {offsets = [1536, 0], sizes = [512, 1024], strides = [1, 1]} : vector<2048x1024xf32> to vector<512x1024xf32>
    %reduce_min3A_94 = arith.constant dense<0x7F800000> : vector<1024xf32>
    %reduce_min3A_95 = vector.multi_reduction <minimumf>, %slice3A_93, %reduce_min3A_94 [0] : vector<512x1024xf32> to vector<1024xf32>
    %broadcast_in_dim3A_96 = vector.shape_cast %reduce_min3A_95 : vector<1024xf32> to vector<1x1024xf32>
    %min3A_97 = arith.minimumf %broadcast_in_dim3A_92, %broadcast_in_dim3A_96 : vector<1x1024xf32>
    %min3A_98 = arith.minimumf %min3A_88, %min3A_97 : vector<1x1024xf32>
    %eq3A_99 = vector.broadcast %min3A_98 : vector<1x1024xf32> to vector<2048x1024xf32>
    %eq3A_100 = arith.cmpf oeq, %add3A_79, %eq3A_99 : vector<2048x1024xf32>
    %jit3A_101 = arith.constant 2.048000e+03 : f32
    %broadcast_in_dim3A_102 = vector.broadcast %jit3A_101 : f32 to vector<2048x1024xf32>
    %select_n3A_103 = arith.select %eq3A_100, %convert_element_type3A_9, %broadcast_in_dim3A_102 : vector<2048x1024xi1>, vector<2048x1024xf32>
    %slice3A_104 = vector.extract_strided_slice %select_n3A_103 {offsets = [0, 0], sizes = [512, 1024], strides = [1, 1]} : vector<2048x1024xf32> to vector<512x1024xf32>
    %reduce_min3A_105 = arith.constant dense<0x7F800000> : vector<1024xf32>
    %reduce_min3A_106 = vector.multi_reduction <minimumf>, %slice3A_104, %reduce_min3A_105 [0] : vector<512x1024xf32> to vector<1024xf32>
    %broadcast_in_dim3A_107 = vector.shape_cast %reduce_min3A_106 : vector<1024xf32> to vector<1x1024xf32>
    %slice3A_108 = vector.extract_strided_slice %select_n3A_103 {offsets = [512, 0], sizes = [512, 1024], strides = [1, 1]} : vector<2048x1024xf32> to vector<512x1024xf32>
    %reduce_min3A_109 = arith.constant dense<0x7F800000> : vector<1024xf32>
    %reduce_min3A_110 = vector.multi_reduction <minimumf>, %slice3A_108, %reduce_min3A_109 [0] : vector<512x1024xf32> to vector<1024xf32>
    %broadcast_in_dim3A_111 = vector.shape_cast %reduce_min3A_110 : vector<1024xf32> to vector<1x1024xf32>
    %min3A_112 = arith.minimumf %broadcast_in_dim3A_107, %broadcast_in_dim3A_111 : vector<1x1024xf32>
    %slice3A_113 = vector.extract_strided_slice %select_n3A_103 {offsets = [1024, 0], sizes = [512, 1024], strides = [1, 1]} : vector<2048x1024xf32> to vector<512x1024xf32>
    %reduce_min3A_114 = arith.constant dense<0x7F800000> : vector<1024xf32>
    %reduce_min3A_115 = vector.multi_reduction <minimumf>, %slice3A_113, %reduce_min3A_114 [0] : vector<512x1024xf32> to vector<1024xf32>
    %broadcast_in_dim3A_116 = vector.shape_cast %reduce_min3A_115 : vector<1024xf32> to vector<1x1024xf32>
    %slice3A_117 = vector.extract_strided_slice %select_n3A_103 {offsets = [1536, 0], sizes = [512, 1024], strides = [1, 1]} : vector<2048x1024xf32> to vector<512x1024xf32>
    %reduce_min3A_118 = arith.constant dense<0x7F800000> : vector<1024xf32>
    %reduce_min3A_119 = vector.multi_reduction <minimumf>, %slice3A_117, %reduce_min3A_118 [0] : vector<512x1024xf32> to vector<1024xf32>
    %broadcast_in_dim3A_120 = vector.shape_cast %reduce_min3A_119 : vector<1024xf32> to vector<1x1024xf32>
    %min3A_121 = arith.minimumf %broadcast_in_dim3A_116, %broadcast_in_dim3A_120 : vector<1x1024xf32>
    %min3A_122 = arith.minimumf %min3A_112, %min3A_121 : vector<1x1024xf32>
    %convert_element_type3A_123 = arith.fptosi %min3A_122 : vector<1x1024xf32> to vector<1x1024xi32>
    %convert_element_type3A_124 = arith.extf %convert_element_type3A_63 : vector<1x1024xbf16> to vector<1x1024xf32>
    %lt3A_125 = arith.cmpf olt, %min3A_98, %convert_element_type3A_124 : vector<1x1024xf32>
    %convert_element_type3A_126 = arith.extf %convert_element_type3A_63 : vector<1x1024xbf16> to vector<1x1024xf32>
    %select_n3A_127 = arith.select %lt3A_125, %min3A_98, %convert_element_type3A_126 : vector<1x1024xi1>, vector<1x1024xf32>
    %convert_element_type3A_128 = arith.truncf %select_n3A_127 : vector<1x1024xf32> to vector<1x1024xbf16>
    %add3A_129 = arith.constant 2048 : i32
    %add3A_130 = vector.broadcast %add3A_129 : i32 to vector<1x1024xi32>
    %add3A_131 = arith.addi %convert_element_type3A_123, %add3A_130 : vector<1x1024xi32>
    %select_n3A_132 = arith.select %lt3A_125, %add3A_131, %select_n3A_67 : vector<1x1024xi1>, vector<1x1024xi32>
    %get3A_133 = arith.constant 4096 : index
    %get3A_134 = arith.constant 0 : index
    %get3A_135 = vector.load %arg3[%get3A_133, %get3A_134] : memref<8192x32xbf16, #tpu.memory_space<vmem>>, vector<2048x32xbf16>
    %get3A_136 = arith.constant 4096 : index
    %get3A_137 = arith.constant 0 : index
    %get3A_138 = vector.load %arg4[%get3A_136, %get3A_137] : memref<8192x1xf32, #tpu.memory_space<vmem>>, vector<2048x1xf32>
    %dot_general3A_139 = arith.constant dense<0.000000e+00> : vector<2048x1024xf32>
    %dot_general3A_140 = tpu.matmul %get3A_135, %convert_element_type3A, %dot_general3A_139 {dimension_numbers = #tpu.dot_dimension_numbers<[1], [0], [0], [1], [0, 0, 1, 1], [], []>, transpose_lhs_hint = false} : vector<2048x32xbf16>, vector<32x1024xbf16>, vector<2048x1024xf32> -> vector<2048x1024xf32>
    %sub3A_141 = vector.broadcast %get3A_8 : vector<1x1024xf32> to vector<2048x1024xf32>
    %sub3A_142 = arith.subf %sub3A_141, %dot_general3A_140 : vector<2048x1024xf32>
    %add3A_143 = vector.broadcast %get3A_138 : vector<2048x1xf32> to vector<2048x1024xf32>
    %add3A_144 = arith.addf %sub3A_142, %add3A_143 : vector<2048x1024xf32>
    %slice3A_145 = vector.extract_strided_slice %add3A_144 {offsets = [0, 0], sizes = [512, 1024], strides = [1, 1]} : vector<2048x1024xf32> to vector<512x1024xf32>
    %reduce_min3A_146 = arith.constant dense<0x7F800000> : vector<1024xf32>
    %reduce_min3A_147 = vector.multi_reduction <minimumf>, %slice3A_145, %reduce_min3A_146 [0] : vector<512x1024xf32> to vector<1024xf32>
    %broadcast_in_dim3A_148 = vector.shape_cast %reduce_min3A_147 : vector<1024xf32> to vector<1x1024xf32>
    %slice3A_149 = vector.extract_strided_slice %add3A_144 {offsets = [512, 0], sizes = [512, 1024], strides = [1, 1]} : vector<2048x1024xf32> to vector<512x1024xf32>
    %reduce_min3A_150 = arith.constant dense<0x7F800000> : vector<1024xf32>
    %reduce_min3A_151 = vector.multi_reduction <minimumf>, %slice3A_149, %reduce_min3A_150 [0] : vector<512x1024xf32> to vector<1024xf32>
    %broadcast_in_dim3A_152 = vector.shape_cast %reduce_min3A_151 : vector<1024xf32> to vector<1x1024xf32>
    %min3A_153 = arith.minimumf %broadcast_in_dim3A_148, %broadcast_in_dim3A_152 : vector<1x1024xf32>
    %slice3A_154 = vector.extract_strided_slice %add3A_144 {offsets = [1024, 0], sizes = [512, 1024], strides = [1, 1]} : vector<2048x1024xf32> to vector<512x1024xf32>
    %reduce_min3A_155 = arith.constant dense<0x7F800000> : vector<1024xf32>
    %reduce_min3A_156 = vector.multi_reduction <minimumf>, %slice3A_154, %reduce_min3A_155 [0] : vector<512x1024xf32> to vector<1024xf32>
    %broadcast_in_dim3A_157 = vector.shape_cast %reduce_min3A_156 : vector<1024xf32> to vector<1x1024xf32>
    %slice3A_158 = vector.extract_strided_slice %add3A_144 {offsets = [1536, 0], sizes = [512, 1024], strides = [1, 1]} : vector<2048x1024xf32> to vector<512x1024xf32>
    %reduce_min3A_159 = arith.constant dense<0x7F800000> : vector<1024xf32>
    %reduce_min3A_160 = vector.multi_reduction <minimumf>, %slice3A_158, %reduce_min3A_159 [0] : vector<512x1024xf32> to vector<1024xf32>
    %broadcast_in_dim3A_161 = vector.shape_cast %reduce_min3A_160 : vector<1024xf32> to vector<1x1024xf32>
    %min3A_162 = arith.minimumf %broadcast_in_dim3A_157, %broadcast_in_dim3A_161 : vector<1x1024xf32>
    %min3A_163 = arith.minimumf %min3A_153, %min3A_162 : vector<1x1024xf32>
    %eq3A_164 = vector.broadcast %min3A_163 : vector<1x1024xf32> to vector<2048x1024xf32>
    %eq3A_165 = arith.cmpf oeq, %add3A_144, %eq3A_164 : vector<2048x1024xf32>
    %jit3A_166 = arith.constant 2.048000e+03 : f32
    %broadcast_in_dim3A_167 = vector.broadcast %jit3A_166 : f32 to vector<2048x1024xf32>
    %select_n3A_168 = arith.select %eq3A_165, %convert_element_type3A_9, %broadcast_in_dim3A_167 : vector<2048x1024xi1>, vector<2048x1024xf32>
    %slice3A_169 = vector.extract_strided_slice %select_n3A_168 {offsets = [0, 0], sizes = [512, 1024], strides = [1, 1]} : vector<2048x1024xf32> to vector<512x1024xf32>
    %reduce_min3A_170 = arith.constant dense<0x7F800000> : vector<1024xf32>
    %reduce_min3A_171 = vector.multi_reduction <minimumf>, %slice3A_169, %reduce_min3A_170 [0] : vector<512x1024xf32> to vector<1024xf32>
    %broadcast_in_dim3A_172 = vector.shape_cast %reduce_min3A_171 : vector<1024xf32> to vector<1x1024xf32>
    %slice3A_173 = vector.extract_strided_slice %select_n3A_168 {offsets = [512, 0], sizes = [512, 1024], strides = [1, 1]} : vector<2048x1024xf32> to vector<512x1024xf32>
    %reduce_min3A_174 = arith.constant dense<0x7F800000> : vector<1024xf32>
    %reduce_min3A_175 = vector.multi_reduction <minimumf>, %slice3A_173, %reduce_min3A_174 [0] : vector<512x1024xf32> to vector<1024xf32>
    %broadcast_in_dim3A_176 = vector.shape_cast %reduce_min3A_175 : vector<1024xf32> to vector<1x1024xf32>
    %min3A_177 = arith.minimumf %broadcast_in_dim3A_172, %broadcast_in_dim3A_176 : vector<1x1024xf32>
    %slice3A_178 = vector.extract_strided_slice %select_n3A_168 {offsets = [1024, 0], sizes = [512, 1024], strides = [1, 1]} : vector<2048x1024xf32> to vector<512x1024xf32>
    %reduce_min3A_179 = arith.constant dense<0x7F800000> : vector<1024xf32>
    %reduce_min3A_180 = vector.multi_reduction <minimumf>, %slice3A_178, %reduce_min3A_179 [0] : vector<512x1024xf32> to vector<1024xf32>
    %broadcast_in_dim3A_181 = vector.shape_cast %reduce_min3A_180 : vector<1024xf32> to vector<1x1024xf32>
    %slice3A_182 = vector.extract_strided_slice %select_n3A_168 {offsets = [1536, 0], sizes = [512, 1024], strides = [1, 1]} : vector<2048x1024xf32> to vector<512x1024xf32>
    %reduce_min3A_183 = arith.constant dense<0x7F800000> : vector<1024xf32>
    %reduce_min3A_184 = vector.multi_reduction <minimumf>, %slice3A_182, %reduce_min3A_183 [0] : vector<512x1024xf32> to vector<1024xf32>
    %broadcast_in_dim3A_185 = vector.shape_cast %reduce_min3A_184 : vector<1024xf32> to vector<1x1024xf32>
    %min3A_186 = arith.minimumf %broadcast_in_dim3A_181, %broadcast_in_dim3A_185 : vector<1x1024xf32>
    %min3A_187 = arith.minimumf %min3A_177, %min3A_186 : vector<1x1024xf32>
    %convert_element_type3A_188 = arith.fptosi %min3A_187 : vector<1x1024xf32> to vector<1x1024xi32>
    %convert_element_type3A_189 = arith.extf %convert_element_type3A_128 : vector<1x1024xbf16> to vector<1x1024xf32>
    %lt3A_190 = arith.cmpf olt, %min3A_163, %convert_element_type3A_189 : vector<1x1024xf32>
    %convert_element_type3A_191 = arith.extf %convert_element_type3A_128 : vector<1x1024xbf16> to vector<1x1024xf32>
    %select_n3A_192 = arith.select %lt3A_190, %min3A_163, %convert_element_type3A_191 : vector<1x1024xi1>, vector<1x1024xf32>
    %convert_element_type3A_193 = arith.truncf %select_n3A_192 : vector<1x1024xf32> to vector<1x1024xbf16>
    %add3A_194 = arith.constant 4096 : i32
    %add3A_195 = vector.broadcast %add3A_194 : i32 to vector<1x1024xi32>
    %add3A_196 = arith.addi %convert_element_type3A_188, %add3A_195 : vector<1x1024xi32>
    %select_n3A_197 = arith.select %lt3A_190, %add3A_196, %select_n3A_132 : vector<1x1024xi1>, vector<1x1024xi32>
    %get3A_198 = arith.constant 6144 : index
    %get3A_199 = arith.constant 0 : index
    %get3A_200 = vector.load %arg3[%get3A_198, %get3A_199] : memref<8192x32xbf16, #tpu.memory_space<vmem>>, vector<2048x32xbf16>
    %get3A_201 = arith.constant 6144 : index
    %get3A_202 = arith.constant 0 : index
    %get3A_203 = vector.load %arg4[%get3A_201, %get3A_202] : memref<8192x1xf32, #tpu.memory_space<vmem>>, vector<2048x1xf32>
    %dot_general3A_204 = arith.constant dense<0.000000e+00> : vector<2048x1024xf32>
    %dot_general3A_205 = tpu.matmul %get3A_200, %convert_element_type3A, %dot_general3A_204 {dimension_numbers = #tpu.dot_dimension_numbers<[1], [0], [0], [1], [0, 0, 1, 1], [], []>, transpose_lhs_hint = false} : vector<2048x32xbf16>, vector<32x1024xbf16>, vector<2048x1024xf32> -> vector<2048x1024xf32>
    %sub3A_206 = vector.broadcast %get3A_8 : vector<1x1024xf32> to vector<2048x1024xf32>
    %sub3A_207 = arith.subf %sub3A_206, %dot_general3A_205 : vector<2048x1024xf32>
    %add3A_208 = vector.broadcast %get3A_203 : vector<2048x1xf32> to vector<2048x1024xf32>
    %add3A_209 = arith.addf %sub3A_207, %add3A_208 : vector<2048x1024xf32>
    %slice3A_210 = vector.extract_strided_slice %add3A_209 {offsets = [0, 0], sizes = [512, 1024], strides = [1, 1]} : vector<2048x1024xf32> to vector<512x1024xf32>
    %reduce_min3A_211 = arith.constant dense<0x7F800000> : vector<1024xf32>
    %reduce_min3A_212 = vector.multi_reduction <minimumf>, %slice3A_210, %reduce_min3A_211 [0] : vector<512x1024xf32> to vector<1024xf32>
    %broadcast_in_dim3A_213 = vector.shape_cast %reduce_min3A_212 : vector<1024xf32> to vector<1x1024xf32>
    %slice3A_214 = vector.extract_strided_slice %add3A_209 {offsets = [512, 0], sizes = [512, 1024], strides = [1, 1]} : vector<2048x1024xf32> to vector<512x1024xf32>
    %reduce_min3A_215 = arith.constant dense<0x7F800000> : vector<1024xf32>
    %reduce_min3A_216 = vector.multi_reduction <minimumf>, %slice3A_214, %reduce_min3A_215 [0] : vector<512x1024xf32> to vector<1024xf32>
    %broadcast_in_dim3A_217 = vector.shape_cast %reduce_min3A_216 : vector<1024xf32> to vector<1x1024xf32>
    %min3A_218 = arith.minimumf %broadcast_in_dim3A_213, %broadcast_in_dim3A_217 : vector<1x1024xf32>
    %slice3A_219 = vector.extract_strided_slice %add3A_209 {offsets = [1024, 0], sizes = [512, 1024], strides = [1, 1]} : vector<2048x1024xf32> to vector<512x1024xf32>
    %reduce_min3A_220 = arith.constant dense<0x7F800000> : vector<1024xf32>
    %reduce_min3A_221 = vector.multi_reduction <minimumf>, %slice3A_219, %reduce_min3A_220 [0] : vector<512x1024xf32> to vector<1024xf32>
    %broadcast_in_dim3A_222 = vector.shape_cast %reduce_min3A_221 : vector<1024xf32> to vector<1x1024xf32>
    %slice3A_223 = vector.extract_strided_slice %add3A_209 {offsets = [1536, 0], sizes = [512, 1024], strides = [1, 1]} : vector<2048x1024xf32> to vector<512x1024xf32>
    %reduce_min3A_224 = arith.constant dense<0x7F800000> : vector<1024xf32>
    %reduce_min3A_225 = vector.multi_reduction <minimumf>, %slice3A_223, %reduce_min3A_224 [0] : vector<512x1024xf32> to vector<1024xf32>
    %broadcast_in_dim3A_226 = vector.shape_cast %reduce_min3A_225 : vector<1024xf32> to vector<1x1024xf32>
    %min3A_227 = arith.minimumf %broadcast_in_dim3A_222, %broadcast_in_dim3A_226 : vector<1x1024xf32>
    %min3A_228 = arith.minimumf %min3A_218, %min3A_227 : vector<1x1024xf32>
    %eq3A_229 = vector.broadcast %min3A_228 : vector<1x1024xf32> to vector<2048x1024xf32>
    %eq3A_230 = arith.cmpf oeq, %add3A_209, %eq3A_229 : vector<2048x1024xf32>
    %jit3A_231 = arith.constant 2.048000e+03 : f32
    %broadcast_in_dim3A_232 = vector.broadcast %jit3A_231 : f32 to vector<2048x1024xf32>
    %select_n3A_233 = arith.select %eq3A_230, %convert_element_type3A_9, %broadcast_in_dim3A_232 : vector<2048x1024xi1>, vector<2048x1024xf32>
    %slice3A_234 = vector.extract_strided_slice %select_n3A_233 {offsets = [0, 0], sizes = [512, 1024], strides = [1, 1]} : vector<2048x1024xf32> to vector<512x1024xf32>
    %reduce_min3A_235 = arith.constant dense<0x7F800000> : vector<1024xf32>
    %reduce_min3A_236 = vector.multi_reduction <minimumf>, %slice3A_234, %reduce_min3A_235 [0] : vector<512x1024xf32> to vector<1024xf32>
    %broadcast_in_dim3A_237 = vector.shape_cast %reduce_min3A_236 : vector<1024xf32> to vector<1x1024xf32>
    %slice3A_238 = vector.extract_strided_slice %select_n3A_233 {offsets = [512, 0], sizes = [512, 1024], strides = [1, 1]} : vector<2048x1024xf32> to vector<512x1024xf32>
    %reduce_min3A_239 = arith.constant dense<0x7F800000> : vector<1024xf32>
    %reduce_min3A_240 = vector.multi_reduction <minimumf>, %slice3A_238, %reduce_min3A_239 [0] : vector<512x1024xf32> to vector<1024xf32>
    %broadcast_in_dim3A_241 = vector.shape_cast %reduce_min3A_240 : vector<1024xf32> to vector<1x1024xf32>
    %min3A_242 = arith.minimumf %broadcast_in_dim3A_237, %broadcast_in_dim3A_241 : vector<1x1024xf32>
    %slice3A_243 = vector.extract_strided_slice %select_n3A_233 {offsets = [1024, 0], sizes = [512, 1024], strides = [1, 1]} : vector<2048x1024xf32> to vector<512x1024xf32>
    %reduce_min3A_244 = arith.constant dense<0x7F800000> : vector<1024xf32>
    %reduce_min3A_245 = vector.multi_reduction <minimumf>, %slice3A_243, %reduce_min3A_244 [0] : vector<512x1024xf32> to vector<1024xf32>
    %broadcast_in_dim3A_246 = vector.shape_cast %reduce_min3A_245 : vector<1024xf32> to vector<1x1024xf32>
    %slice3A_247 = vector.extract_strided_slice %select_n3A_233 {offsets = [1536, 0], sizes = [512, 1024], strides = [1, 1]} : vector<2048x1024xf32> to vector<512x1024xf32>
    %reduce_min3A_248 = arith.constant dense<0x7F800000> : vector<1024xf32>
    %reduce_min3A_249 = vector.multi_reduction <minimumf>, %slice3A_247, %reduce_min3A_248 [0] : vector<512x1024xf32> to vector<1024xf32>
    %broadcast_in_dim3A_250 = vector.shape_cast %reduce_min3A_249 : vector<1024xf32> to vector<1x1024xf32>
    %min3A_251 = arith.minimumf %broadcast_in_dim3A_246, %broadcast_in_dim3A_250 : vector<1x1024xf32>
    %min3A_252 = arith.minimumf %min3A_242, %min3A_251 : vector<1x1024xf32>
    %convert_element_type3A_253 = arith.fptosi %min3A_252 : vector<1x1024xf32> to vector<1x1024xi32>
    %convert_element_type3A_254 = arith.extf %convert_element_type3A_193 : vector<1x1024xbf16> to vector<1x1024xf32>
    %lt3A_255 = arith.cmpf olt, %min3A_228, %convert_element_type3A_254 : vector<1x1024xf32>
    %add3A_256 = arith.constant 6144 : i32
    %add3A_257 = vector.broadcast %add3A_256 : i32 to vector<1x1024xi32>
    %add3A_258 = arith.addi %convert_element_type3A_253, %add3A_257 : vector<1x1024xi32>
    %select_n3A_259 = arith.select %lt3A_255, %add3A_258, %select_n3A_197 : vector<1x1024xi1>, vector<1x1024xi32>
    %swap3A = arith.constant 0 : index
    %swap3A_260 = arith.constant 0 : index
    %swap3A_261 = arith.constant 0 : index
    %swap3A_262 = vector.load %arg5[%swap3A, %swap3A_260, %swap3A_261] : memref<1x1x1024xi32, #tpu.memory_space<vmem>>, vector<1x1x1024xi32>
    %swap3A_263 = vector.shape_cast %swap3A_262 : vector<1x1x1024xi32> to vector<1x1024xi32>
    %swap3A_264 = vector.shape_cast %select_n3A_259 : vector<1x1024xi32> to vector<1x1x1024xi32>
    tpu.vector_store %arg5[%swap3A, %swap3A_260, %swap3A_261], %swap3A_264 {strides = array<i32>} : memref<1x1x1024xi32, #tpu.memory_space<vmem>>, vector<1x1x1024xi32>,
    return
  }
  func.func @transform_0(%arg0: i32) -> (i32, i32, i32) {
    %c0_i32 = arith.constant 0 : i32
    %c0_i32_0 = arith.constant 0 : i32
    %c0_i32_1 = arith.constant 0 : i32
    return %arg0, %c0_i32, %c0_i32_0 : i32, i32, i32
  }
  func.func @transform_1(%arg0: i32) -> (i32, i32, i32) {
    %c0_i32 = arith.constant 0 : i32
    %c0_i32_0 = arith.constant 0 : i32
    %c0_i32_1 = arith.constant 0 : i32
    return %arg0, %c0_i32, %c0_i32_0 : i32, i32, i32
  }
  func.func @transform_2(%arg0: i32) -> (i32, i32) {
    %c0_i32 = arith.constant 0 : i32
    %c0_i32_0 = arith.constant 0 : i32
    %c0_i32_1 = arith.constant 0 : i32
    return %c0_i32, %c0_i32_0 : i32, i32
  }
  func.func @transform_3(%arg0: i32) -> (i32, i32) {
    %c0_i32 = arith.constant 0 : i32
    %c0_i32_0 = arith.constant 0 : i32
    %c0_i32_1 = arith.constant 0 : i32
    return %c0_i32, %c0_i32_0 : i32, i32
  }
  func.func @transform_4(%arg0: i32) -> (i32, i32, i32) {
    %c0_i32 = arith.constant 0 : i32
    %c0_i32_0 = arith.constant 0 : i32
    %c0_i32_1 = arith.constant 0 : i32
    return %arg0, %c0_i32, %c0_i32_0 : i32, i32, i32
  }
}

</mosaic_0001>

<sc_bundles>
// kernel: kernel.4.cloned.1.call-start
scs
__scs_entry_jumppad:
0x0: {  	(pc) =	sbr.rel $0x88, $3  }
0x1: {  	(tag) =	ssettag $0x0;
	lr =	simm.s32 $0x1  }
0x2: {  	[smem:$0x3F9F] =	sst lr;
	_ =	strace $0xD0000000  }
0x3: {  	_ = 	snop  }
0x4: {  	_ = 	snop  }
0x5: {  	_ = 	snop  }
0x6: {  	_ = 	snop  }
0x7: {  	_ = 	snop  }
__scs_overlays_trampoline_lowered:
0x8: {  	[smem:$0x3FAE] =	sst s0  }
0x9: {  	[smem:$0x3FAF] =	sst s1  }
0xa: {  	[smem:$0x3FB0] =	sst s2  }
0xb: {  	[smem:$0x3FB1] =	sst s3  }
0xc: {  	[smem:$0x3FB2] =	sst s4  }
0xd: {  	[smem:$0x3FB3] =	sst s5  }
0xe: {  	[smem:$0x3FB4] =	sst s6  }
0xf: {  	[smem:$0x3FB5] =	sst s7  }
0x10: {  	[smem:$0x3FB6] =	sst s8  }
0x11: {  	[smem:$0x3FB7] =	sst s9;
	s0 =	simm.s32 @!p0 $0x0  }
0x12: {  	s1 =	sld [smem:$0x3F9D];
	s0 =	simm.s32 @p0 $0x1  }
0x13: {  	[smem:$0x3FB8] =	sst s0;
	s0 =	simm.s32 @!p1 $0x0  }
0x14: {  	s2 =	sld [smem:$0x3F9C];
	s0 =	simm.s32 @p1 $0x1  }
0x15: {  	[smem:$0x3FB9] =	sst s0;
	s0 =	simm.s32 @!p2 $0x0  }
0x16: {  	s3 =	sld [smem:$0x3FDB];
	s0 =	simm.s32 @p2 $0x1  }
0x17: {  	s4 =	simm.s32 $0x1BF5;
	[smem:$0x3FBB] =	sst s0  }
0x18: {  	s0 =	sld [smem:$0x3F9E];
	_ =	swait.ge [sflag:s4], $0x0  }
0x19: {  	s7 =	sld [smem:$0x3F9F]  }
0x1a: {  	s8 =	sadd.s32 $0xFFFFE003, lr  }
0x1b: {  	s9 =	sadd.s32 $0xFFFFFEF7, lr;
	s5 =	simm.s32 $0xFFFFFFFF;
	p2 =	slt.u32 s8, $0xFFFFF086  }
0x1c: {  	p1 =	slt.u32 s9, $0xF7A;
	s5 =	simm.s32 @!p2 $0x0  }
0x1d: {  	s5 =	simm.s32 @p1 $0x1;
	p0 =	seq.s32 s7, s2  }
0x1e: {  	s7 =	smul.u32 @!p0 $0xF7A, s2;
	p2 =	seq.s32 @!p0 s5, $0x0  }
0x1f: {  	s9 =	smul.u32 $0xF7A, s1;
	s8 =	simm.s32 @!p0 $0x1BF5;
	p2 =	por !p2, p0  }
0x20: {  	[sflag:s8] =	ssyncset.s32 @!p0 $0xFFFFF086;
	s6 =	sadd.s32 @!p0 s3, s7;
	s7 =	simm.s32 @!p0 $0x108  }
0x21: {  	s3 =	sadd.s32 s3, s9;
	s6 =	sadd.s32 @!p0 $0x88, s6;
	s7 =	simm.s32 @p2 $0x1082  }
0x22: {  	[simem:s7], [sflag:s8] =	dma.local @!p0 [hbm:s6], $0xF7A  }
0x23: {  	s9 =	sor.u32 $0xD0000000, s2;
	s6 =	simm.s32 $0x108;
	_ =	swait.ge @!p0 [sflag:s8], $0x0  }
0x24: {  	s3 =	sadd.s32 $0x88, s3;
	s6 =	simm.s32 @!p1 $0x1082;
	[sflag:s4] =	ssyncset.s32 $0xFFFFF086  }
0x25: {  	[simem:s6], [sflag:s4] =	dma.local [hbm:s3], $0xF7A  }
0x26: {  	[smem:$0x3F9F] =	sst s1;
	(tag) =	ssettag s2;
	_ =	strace s9  }
0x27: {  	s1 =	sld [smem:$0x3FAF]  }
0x28: {  	s2 =	sld [smem:$0x3FB0]  }
0x29: {  	s4 =	sld [smem:$0x3FB2]  }
0x2a: {  	p0 =	seq.s32 s5, $0x0;
	s5 =	sld [smem:$0x3FB3]  }
0x2b: {  	s6 =	sld [smem:$0x3FB4]  }
0x2c: {  	s7 =	sld [smem:$0x3FB5]  }
0x2d: {  	s3 =	simm.s32 $0x108;
	s8 =	sld [smem:$0x3FB6]  }
0x2e: {  	s3 =	simm.s32 @!p0 $0x1082;
	s9 =	sld [smem:$0x3FB7]  }
0x2f: {  	lr =	sadd.s32 s0, s3;
	s0 =	sld [smem:$0x3FAE]  }
0x30: {  	s3 =	sld [smem:$0x3FB1]  }
0x31: {  	[smem:$0x3FBA] =	sst s10  }
0x32: {  	s10 =	sld [smem:$0x3FB8];
	_ =	sdelay $0x3  }
0x33: {  	p0 =	seq.s32 s10, $0x1;
	s10 =	sld [smem:$0x3FBA];
	_ =	sdelay $0x3  }
0x34: {  	[smem:$0x3FBA] =	sst s10  }
0x35: {  	s10 =	sld [smem:$0x3FB9];
	_ =	sdelay $0x3  }
0x36: {  	p1 =	seq.s32 s10, $0x1;
	s10 =	sld [smem:$0x3FBA];
	_ =	sdelay $0x3  }
0x37: {  	[smem:$0x3FBA] =	sst s10  }
0x38: {  	s10 =	sld [smem:$0x3FBB]  }
0x39: {  	_ = 	snop;
	(pc) =	sbr.ind lr, $3  }
0x3a: {  	_ = 	snop  }
0x3b: {  	_ = 	snop  }
0x3c: {  	p2 =	seq.s32 s10, $0x1;
	s10 =	sld [smem:$0x3FBA]  }
0x3d: {  	_ =	shalt  }
0x3e: {  	_ =	shalt  }
0x3f: {  	_ =	shalt  }
0x40: {  	_ =	shalt  }
0x41: {  	_ =	shalt  }
0x42: {  	_ =	shalt  }
0x43: {  	_ =	shalt  }
0x44: {  	_ =	shalt  }
0x45: {  	_ =	shalt  }
0x46: {  	_ =	shalt  }
0x47: {  	_ =	shalt  }
0x48: {  	_ =	shalt  }
0x49: {  	_ =	shalt  }
0x4a: {  	_ =	shalt  }
0x4b: {  	_ =	shalt  }
0x4c: {  	_ =	shalt  }
0x4d: {  	_ =	shalt  }
0x4e: {  	_ =	shalt  }
0x4f: {  	_ =	shalt  }
0x50: {  	_ =	shalt  }
0x51: {  	_ =	shalt  }
0x52: {  	_ =	shalt  }
0x53: {  	_ =	shalt  }
0x54: {  	_ =	shalt  }
0x55: {  	_ =	shalt  }
0x56: {  	_ =	shalt  }
0x57: {  	_ =	shalt  }
0x58: {  	_ =	shalt  }
0x59: {  	_ =	shalt  }
0x5a: {  	_ =	shalt  }
0x5b: {  	_ =	shalt  }
0x5c: {  	_ =	shalt  }
0x5d: {  	_ =	shalt  }
0x5e: {  	_ =	shalt  }
0x5f: {  	_ =	shalt  }
0x60: {  	_ =	shalt  }
0x61: {  	_ =	shalt  }
0x62: {  	_ =	shalt  }
0x63: {  	_ =	shalt  }
0x64: {  	_ =	shalt  }
0x65: {  	_ =	shalt  }
0x66: {  	_ =	shalt  }
0x67: {  	_ =	shalt  }
0x68: {  	_ =	shalt  }
0x69: {  	_ =	shalt  }
0x6a: {  	_ =	shalt  }
0x6b: {  	_ =	shalt  }
0x6c: {  	_ =	shalt  }
0x6d: {  	_ =	shalt  }
0x6e: {  	_ =	shalt  }
0x6f: {  	_ =	shalt  }
0x70: {  	_ =	shalt  }
0x71: {  	_ =	shalt  }
0x72: {  	_ =	shalt  }
0x73: {  	_ =	shalt  }
0x74: {  	_ =	shalt  }
0x75: {  	_ =	shalt  }
0x76: {  	_ =	shalt  }
0x77: {  	_ =	shalt  }
0x78: {  	_ =	shalt  }
0x79: {  	_ =	shalt  }
0x7a: {  	_ =	shalt  }
0x7b: {  	_ =	shalt  }
0x7c: {  	_ =	shalt  }
0x7d: {  	_ =	shalt  }
0x7e: {  	_ =	shalt  }
0x7f: {  	_ =	shalt  }
0x80: {  	_ =	shalt  }
0x81: {  	_ =	shalt  }
0x82: {  	_ =	shalt  }
0x83: {  	_ =	shalt  }
0x84: {  	_ =	shalt  }
0x85: {  	_ =	shalt  }
0x86: {  	_ =	shalt  }
0x87: {  	_ =	shalt  }
.Lfunc_end0:
.L_simem_size_0:
called_computation_lowered:
.L_overlay_start_0:
0x88: {  	s2 =	sld [smem:$0x3FD9]  }
0x89: {  	s3 =	sld [smem:$0x3FFE];
	_ =	sdelay $0x1  }
0x8a: {  	s1 =	srdreg.scid  }
0x8b: {  	s0 =	sand.u32 $0x1, s1  }
0x8c: {  	s14 =	sshll.u32 s0, $0xA;
	s2 =	sadd.s32 s3, s2  }
0x8d: {  	s2 =	sadd.s32 s2, s14  }
0x8e: {  	[smem:$0x3FC6] =	sst s2  }
0x8f: {  	_ = 	snop  }
0x90: {  	s2 =	sld [smem:$0x3FD0];
	_ =	sdelay $0x2  }
0x91: {  	s15 =	simm.s32 $0xA;
	s4 =	simm.s32 $0x10  }
0x92: {  	[smem:s4], [sflag:s15] =	dma.local [hbm:s2], $0x1  }
0x93: {  	_ =	swait.eq [sflag:s15], $0x1  }
0x94: {  	[sflag:s15] =	ssyncset.done $0x0  }
0x95: {  	[sflag:s15] =	ssyncadd.s32 $0xFFFFFFFF  }
0x96: {  	s16 =	sld [smem:$0x10];
	(tm) =	ssettm $0x1  }
0x97: {  	s17 =	sld [smem:$0x3FFB];
	_ =	sdelay $0x3  }
0x98: {  	_ =	strace s17  }
0x99: {  	s3 =	sld [smem:$0x3FFC];
	_ =	sdelay $0x3  }
0x9a: {  	_ =	strace s3  }
0x9b: {  	s3 =	sld [smem:$0x3FFD];
	_ =	sdelay $0x3  }
0x9c: {  	_ =	strace s3  }
0x9d: {  	_ =	strace $0x8FFFFFFF  }
0x9e: {  	s18 =	sld [smem:$0x3FDB];
	_ =	sdelay $0x1  }
0x9f: {  	s19 =	simm.s32 $_scs_section_size  }
0xa0: {  	s5 =	simm.s32 $_size__tile_overlayer_lowered;
	s6 =	simm.s32 $_tile_overlayer_lowered  }
0xa1: {  	s22 =	simm.s32 $0x1BFF;
	s21 =	sshll.u32 s6, $0x1;
	s3 =	sadd.s32 s19, s18  }
0xa2: {  	s7 =	simm.s32 $0x0;
	s20 =	sshll.u32 s5, $0x1;
	s5 =	sadd.s32 s21, s3  }
0xa3: {  	[timem:s7], [sflag:s22] =	dma.local [hbm:s5], s20  }
0xa4: {  	_ =	swait.ge [sflag:s22], s20  }
0xa5: {  	s4 =	ssub.s32 $0x0, s20;
	[sflag:s22] =	ssyncset.done $0x0  }
0xa6: {  	[sflag:s22] =	ssyncadd.s32 s4;
	_ =	sdelay $0x1  }
0xa7: {  	s23 =	simm.s32 $0x1B8B  }
0xa8: {  	_ =	swait.ge [sflag:s23], $0x1  }
0xa9: {  	[sflag:s23] =	ssyncset.done $0x0  }
0xaa: {  	s25 =	simm.s32 $0x1B8E;
	s24 =	sld [smem:$0x3FFE];
	[sflag:s23] =	ssyncadd.s32 $0xFFFFFFFF  }
0xab: {  	s26 =	simm.s32 $execute0_lowered;
	[smem:$0x3FD2] =	sst s25  }
0xac: {  	s5 =	sshll.u32 s26, $0x1;
	_ =	strace $0x80000046;
	[dreg:$0x1] =	wrdreg $0xFFFFFFFF  }
0xad: {  	s28 =	simm.s32 $_size_execute0_lowered;
	s3 =	sadd.s32 s3, s5;
	[dreg:$0x0] =	wrdreg $0x0  }
0xae: {  	s5 =	sshll.u32 s28, $0x1;
	[dreg:$0x2] =	wrdreg s3  }
0xaf: {  	[dreg:$0x3] =	wrdreg s5  }
0xb0: {  	[dreg:$0x4] =	wrdreg $0xC0  }
0xb1: {  	_ =	task [dreg:s7], $0x5FFFF  }
0xb2: {  	[dreg:$0x1] =	wrdreg $0xFFFFFFFF  }
0xb3: {  	[dreg:$0x0] =	wrdreg $0x60  }
0xb4: {  	[dreg:$0x2] =	wrdreg s24  }
0xb5: {  	[dreg:$0x3] =	wrdreg s16  }
0xb6: {  	[dreg:$0x4] =	wrdreg $0x9  }
0xb7: {  	_ =	task.clear_ibuf [dreg:s7], $0x5FFFF;
	_ =	strace $0x90000046  }
0xb8: {  	s29 =	simm.s32 $0x9;
	_ =	strace $0x80000048  }
0xb9: {  	_ =	swait.ge [sflag:s29], $0x1  }
0xba: {  	[sflag:s29] =	ssyncadd.s32 $0xFFFFFFFF  }
0xbb: {  	_ =	strace $0x90000048  }
0xbc: {  	_ =	sfence  }
0xbd: {  	s30 =	sld [smem:$0x0];
	_ =	sdelay $0x2  }
0xbe: {  	s31 =	sshll.u32 s1, $0xD;
	s1 =	sshrl.u32 s1, $0x2  }
0xbf: {  	s3 =	sand.u32 $0x4000, s31;
	s1 =	sadd.s32 s1, s30  }
0xc0: {  	s0 =	sor.u32 s3, s0;
	s1 =	sshll.u32 s1, $0x11  }
0xc1: {  	s0 =	sor.u32 s1, s0  }
0xc2: {  	s0 =	sadd.s32 $0x8F2B, s0  }
0xc3: {  	[sflag:s0] =	ssyncadd.remote.s32 $0x1  }
0xc4: {  	_ =	sfence.sel $0xFFFF  }
0xc5: {  	[dreg:$0x0] =	wrdreg $0xFFFFFFFF;
	(pc) =	sbr.abs _section_cstart, $3  }
0xc6: {  	[dreg:$0x1] =	wrdreg $0xFFFFFFFF  }
0xc7: {  	_ =	task.clear_ibuf [dreg:s7], $0x2FFFF;
	_ =	strace $0x9FFFFFFF  }
0xc8: {  	(tm) =	ssettm $0x7FFFFFFF  }
0xc9: {  	_ =	shalt  }
tec
execute0_lowered:
.L_overlay_start_1:
0x0: {  	(tag) =	ssettag $0x1  }
0x1: {  	s1 =	srdreg.scid  }
0x2: {  	s8 =	rddreg [dreg:$0x0];
	s0 =	stileid.u32  }
0x3: {  	s3 =	rddreg [dreg:$0x1];
	s2 =	simm.s32 $0x0;
	s6 =	sand.u32 $0x1, s1  }
0x4: {  	s4 =	sshll.u32 s0, $0x9;
	s1 =	rddreg [dreg:$0x2];
	s5 =	sshll.u32 s6, $0x8  }
0x5: {  	s7 =	simm.s32 $0x1;
	[smem:$0x7FF] =	sst s2;
	s9 =	sor.u32 s5, s4  }
0x6: {  	_ =	strace $0x80000047;
	s10 =	ssub.s32 $0x2, s6;
	s4 =	sshrl.u32 s9, $0x3  }
0x7: {  	s6 =	simm.s32 $0x100;
	s4 =	sadd.s32 s3, s4;
	s3 =	simm.s32 $0x2  }
0x8: {  	[tilespmem:s2], [sflag:$0x2] =	stream.linear.gather [hbm4b:s4+s2], $0x100, $0x38;
	[tilespmem:$0x8100] =	vst v63  }
0x9: {  	s5 =	sadd.s32 $0x200, s8;
	s11 =	sshrl.u32 s10, $0x1;
	_ =	swait.ge [sflag:s3], $0x100  }
0xa: {  	s9 =	sshll.u32 s9, $0x4;
	s31 =	ssub.s32 s10, s11;
	[sflag:s3] =	ssyncset.done $0x0  }
0xb: {  	s8 =	sadd.s32 s9, s8;
	s9 =	smax.u32 s31, $0x1;
	[sflag:s3] =	ssyncadd.s32 $0xFFFFFF00  }
0xc: {  	[tilespmem:s6], [sflag:$0x1] =	stream.indirect.gather [hbm4b:s5+s6], $0x80, s2, s6, $0xb8;
	[tilespmem:$0x8100] =	vst v63  }
0xd: {  	p0 =	sne.s32 s9, $0x1;
	_ =	swait.ge [sflag:s7], $0x8000  }
.Ltmp0:
0xe: {  	[sflag:s7] =	ssyncset.done $0x0;
	(pc) =	sbr.rel @!p0 .LBB2_2-.Ltmp0, $4  }
0xf: {  	s8 =	sadd.s32 $0x20200, s8;
	[sflag:s7] =	ssyncadd.s32 $0xFFFF8000  }
0x10: {  	[hbm4b:s8+s2] =	stream.linear.scatter [tilespmem:s6], [sflag:$0x2], $0x8000, $0x38;
	[tilespmem:$0x8100] =	vst v63  }
0x11: {  	_ =	swait.ge [sflag:s3], $0x8000  }
0x12: {  	s9 =	sadd.s32 $0xFFFFFFFF, s9;
	[sflag:s3] =	ssyncset.done $0x0  }
.LBB2_1:
0x13: {  	p0 =	sne.s32 s9, $0x1;
	s9 =	sadd.s32 $0xFFFFFFFF, s9;
	[sflag:s3] =	ssyncadd.s32 $0xFFFF8000  }
0x14: {  	[tilespmem:s2], [sflag:$0x2] =	stream.linear.gather [hbm4b:s4+s2], $0x100, $0x38;
	[tilespmem:$0x8100] =	vst v63  }
0x15: {  	_ =	swait.ge [sflag:s3], $0x100  }
0x16: {  	[sflag:s3] =	ssyncset.done $0x0  }
0x17: {  	[sflag:s3] =	ssyncadd.s32 $0xFFFFFF00  }
0x18: {  	[tilespmem:s6], [sflag:$0x1] =	stream.indirect.gather [hbm4b:s5+s6], $0x80, s2, s6, $0xb8;
	[tilespmem:$0x8100] =	vst v63  }
0x19: {  	_ =	swait.ge [sflag:s7], $0x8000  }
.Ltmp1:
0x1a: {  	[sflag:s7] =	ssyncset.done $0x0;
	(pc) =	sbr.rel @p0 .LBB2_1-.Ltmp1, $4  }
0x1b: {  	[sflag:s7] =	ssyncadd.s32 $0xFFFF8000  }
0x1c: {  	[hbm4b:s8+s2] =	stream.linear.scatter [tilespmem:s6], [sflag:$0x2], $0x8000, $0x38;
	[tilespmem:$0x8100] =	vst v63  }
0x1d: {  	_ =	swait.ge [sflag:s3], $0x8000  }
0x1e: {  	[sflag:s3] =	ssyncset.done $0x0  }
.LBB2_2:
0x1f: {  	[sflag:s3] =	ssyncadd.s32 $0xFFFF8000  }
0x20: {  	_ =	sfence.sel $0x180000  }
0x21: {  	[bflag:$0x0] =	sbarrier.arrive $0xFFFF  }
0x22: {  	p0 =	sne.s32 s0, $0x0;
	_ =	strace $0x90000047  }
0x23: {  	s0 =	sadd.s32 @!p0 $0x100000, s1;
	[bflag:$0x2] =	sbarrier.arrive $0xFFFF  }
0x24: {  	[sflag:s0] =	ssyncadd.tile.s32 @!p0 $0x1;
	_ =	shalt  }
.Lfunc_end2:
_tile_overlayer_lowered:
.L_overlay_start_2:
0x25: {  	(tag) =	ssettag $0x2  }
0x26: {  	s0 =	rddreg [dreg:$0x0];
	s2 =	stileid.u32  }
0x27: {  	s1 =	rddreg [dreg:$0x1];
	p0 =	sne.s32 s2, $0x0  }
0x28: {  	s3 =	rddreg [dreg:$0x2];
	[bflag:$0x3] =	sbarrier.arrive $0xFFFF;
	s2 =	simm.s32 @!p0 $0x1C02  }
0x29: {  	[timem:s3], [sflag:s2] =	dma.local @!p0 [hbm:s0], s1  }
0x2a: {  	s0 =	simm.s32 @!p0 $0x2  }
0x2b: {  	_ =	swait.ge @!p0 [sflag:s0], s1  }
0x2c: {  	s1 =	ssub.s32 @!p0 $0x0, s1;
	[sflag:s0] =	ssyncset.done @!p0 $0x0  }
0x2d: {  	[sflag:s0] =	ssyncadd.s32 @!p0 s1  }
0x2e: {  	[bflag:$0x3] =	sbarrier.arrive $0xFFFF  }
0x2f: {  	_ =	shalt  }

</sc_bundles>
